<compile_context>
chip_gen: v7x
topology: tpu7x:2x2x1
jax: 0.10.2.dev20260603
libtpu: 0.0.44.dev20260713+nightly
codegen_flags: <defaults>
</compile_context>

<pallas_src>
import functools

import jax
import jax.numpy as jnp
from jax import lax
from jax.experimental import pallas as pl
from jax.experimental.pallas import tpu as pltpu
from jax.experimental.pallas import tpu_sc as plsc

ROWS = 8192
D = 768
NUM_WORKERS = 32
ROWS_PER_W = ROWS // NUM_WORKERS
CHUNK = 32
NCHUNK = ROWS_PER_W // CHUNK
NBUF = 5

_mesh = plsc.VectorSubcoreMesh(core_axis_name="c", subcore_axis_name="s")


@functools.partial(
    pl.kernel,
    out_type=jax.ShapeDtypeStruct((ROWS, D), jnp.float32),
    mesh=_mesh,
    scratch_types=(
        [pltpu.VMEM((CHUNK, D), jnp.float32) for _ in range(NBUF)]
        + [pltpu.SemaphoreType.DMA for _ in range(2 * NCHUNK)]
    ),
)
def _pe_linear_gather(pe_hbm, out_hbm, *scratch):
    bufs = scratch[:NBUF]
    in_sems = scratch[NBUF : NBUF + NCHUNK]
    out_sems = scratch[NBUF + NCHUNK :]
    wid = lax.axis_index("s") * 2 + lax.axis_index("c")
    base = wid * ROWS_PER_W

    def slab(i):
        return pl.ds(base + i * CHUNK, CHUNK)

    def load(i):
        return pltpu.async_copy(pe_hbm.at[slab(i)], bufs[i % NBUF], in_sems[i])

    def store(i):
        return pltpu.async_copy(bufs[i % NBUF], out_hbm.at[slab(i)], out_sems[i])

    loads = [load(i) for i in range(NBUF)]
    stores = []
    for i in range(NCHUNK):
        loads[i].wait()
        stores.append(store(i))
        if i + NBUF < NCHUNK:
            stores[i].wait()
            loads.append(load(i + NBUF))
    for i in range(max(0, NCHUNK - NBUF), NCHUNK):
        stores[i].wait()


def kernel(x, pe):
    del x
    return _pe_linear_gather(pe)

# --- scband reference (transcript-rebuilt; emitter-appended) ---
"""Pipeline reference for scband-embedding-positional-encoding-3753801417329 (READ-ONLY COPY).

The authoritative reference and input builder live on the scoring server;
editing this copy changes nothing except your own understanding.
"""

import jax, jax.numpy as jnp
import numpy as np


def setup_inputs(seed: int = 0) -> dict:
    key = jax.random.key(seed)
    k1, k2 = jax.random.split(key)
    # forward input: x float32[batch=4, seq_len=8192, hidden_dim=768]
    x = jax.random.normal(k1, (4, 8192, 768), dtype=jnp.float32)
    # learned parameter: positional embedding table pe[max_len=8192, hidden_dim=768]
    pe = jax.random.normal(k2, (8192, 768), dtype=jnp.float32) * 0.02
    return {"x": x, "pe": pe}


def reference(x, pe):
    # pos = torch.arange(x.size(1)); return self.pe(pos)
    pos = jnp.arange(x.shape[1], dtype=jnp.int32)
    return jnp.take(pe, pos, axis=0)

if __name__ == "__main__":
    import jax
    _d = setup_inputs()
    print(jax.jit(kernel)(*tuple(_d.values())))

</pallas_src>

<mosaic_0001>
#map = affine_map<(d0, d1) -> (0, 0)>
module attributes {stable_mosaic.version = 14 : i64} {
  func.func @_pe_linear_gather(%arg0: i32, %arg1: i32, %arg2: memref<8192x768xf32, #tpu.memory_space<hbm>>, %arg3: memref<8192x768xf32, #tpu.memory_space<hbm>>, %arg4: memref<32x768xf32, #tpu.memory_space<vmem>>, %arg5: memref<32x768xf32, #tpu.memory_space<vmem>>, %arg6: memref<32x768xf32, #tpu.memory_space<vmem>>, %arg7: memref<32x768xf32, #tpu.memory_space<vmem>>, %arg8: memref<32x768xf32, #tpu.memory_space<vmem>>, %arg9: memref<!tpu.dma_semaphore, #tpu.memory_space<semaphore_mem>>, %arg10: memref<!tpu.dma_semaphore, #tpu.memory_space<semaphore_mem>>, %arg11: memref<!tpu.dma_semaphore, #tpu.memory_space<semaphore_mem>>, %arg12: memref<!tpu.dma_semaphore, #tpu.memory_space<semaphore_mem>>, %arg13: memref<!tpu.dma_semaphore, #tpu.memory_space<semaphore_mem>>, %arg14: memref<!tpu.dma_semaphore, #tpu.memory_space<semaphore_mem>>, %arg15: memref<!tpu.dma_semaphore, #tpu.memory_space<semaphore_mem>>, %arg16: memref<!tpu.dma_semaphore, #tpu.memory_space<semaphore_mem>>, %arg17: memref<!tpu.dma_semaphore, #tpu.memory_space<semaphore_mem>>, %arg18: memref<!tpu.dma_semaphore, #tpu.memory_space<semaphore_mem>>, %arg19: memref<!tpu.dma_semaphore, #tpu.memory_space<semaphore_mem>>, %arg20: memref<!tpu.dma_semaphore, #tpu.memory_space<semaphore_mem>>, %arg21: memref<!tpu.dma_semaphore, #tpu.memory_space<semaphore_mem>>, %arg22: memref<!tpu.dma_semaphore, #tpu.memory_space<semaphore_mem>>, %arg23: memref<!tpu.dma_semaphore, #tpu.memory_space<semaphore_mem>>, %arg24: memref<!tpu.dma_semaphore, #tpu.memory_space<semaphore_mem>>) attributes {dimension_semantics = [#tpu.dimension_semantics<core_parallel>, #tpu.dimension_semantics<subcore_parallel>], iteration_bounds = array<i64: 2, 16>, scalar_prefetch = 0 : i64, scratch_operands = 21 : i64, tpu.core_type = #tpu.core_type<sc_vector_subcore>, window_params = [{transform_indices = #map}, {transform_indices = #map}]} {
    %mul3A = arith.constant 2 : i32
    %mul3A_0 = arith.muli %arg1, %mul3A : i32
    %add3A = arith.addi %mul3A_0, %arg0 : i32
    %mul3A_1 = arith.constant 256 : i32
    %mul3A_2 = arith.muli %add3A, %mul3A_1 : i32
    %add3A_3 = arith.constant 0 : i32
    %add3A_4 = arith.addi %mul3A_2, %add3A_3 : i32
    %dma_start3A = arith.constant 0 : i32
    %dma_start3A_5 = tpu.memref_slice %arg2[%add3A_4, %dma_start3A] : memref<8192x768xf32, #tpu.memory_space<hbm>> -> memref<32x768xf32, #tpu.memory_space<hbm>>
    %dma_start3A_6 = arith.constant 0 : i32
    %dma_start3A_7 = tpu.memref_slice %arg2[%add3A_4, %dma_start3A_6] : memref<8192x768xf32, #tpu.memory_space<hbm>> -> memref<32x768xf32, #tpu.memory_space<hbm>>
    tpu.enqueue_dma source(%dma_start3A_7 : memref<32x768xf32, #tpu.memory_space<hbm>>) target(%arg4 : memref<32x768xf32, #tpu.memory_space<vmem>>) target_semaphore(%arg9 : memref<!tpu.dma_semaphore, #tpu.memory_space<semaphore_mem>>)
    %add3A_8 = arith.constant 32 : i32
    %add3A_9 = arith.addi %mul3A_2, %add3A_8 : i32
    %dma_start3A_10 = arith.constant 0 : i32
    %dma_start3A_11 = tpu.memref_slice %arg2[%add3A_9, %dma_start3A_10] : memref<8192x768xf32, #tpu.memory_space<hbm>> -> memref<32x768xf32, #tpu.memory_space<hbm>>
    %dma_start3A_12 = arith.constant 0 : i32
    %dma_start3A_13 = tpu.memref_slice %arg2[%add3A_9, %dma_start3A_12] : memref<8192x768xf32, #tpu.memory_space<hbm>> -> memref<32x768xf32, #tpu.memory_space<hbm>>
    tpu.enqueue_dma source(%dma_start3A_13 : memref<32x768xf32, #tpu.memory_space<hbm>>) target(%arg5 : memref<32x768xf32, #tpu.memory_space<vmem>>) target_semaphore(%arg10 : memref<!tpu.dma_semaphore, #tpu.memory_space<semaphore_mem>>)
    %add3A_14 = arith.constant 64 : i32
    %add3A_15 = arith.addi %mul3A_2, %add3A_14 : i32
    %dma_start3A_16 = arith.constant 0 : i32
    %dma_start3A_17 = tpu.memref_slice %arg2[%add3A_15, %dma_start3A_16] : memref<8192x768xf32, #tpu.memory_space<hbm>> -> memref<32x768xf32, #tpu.memory_space<hbm>>
    %dma_start3A_18 = arith.constant 0 : i32
    %dma_start3A_19 = tpu.memref_slice %arg2[%add3A_15, %dma_start3A_18] : memref<8192x768xf32, #tpu.memory_space<hbm>> -> memref<32x768xf32, #tpu.memory_space<hbm>>
    tpu.enqueue_dma source(%dma_start3A_19 : memref<32x768xf32, #tpu.memory_space<hbm>>) target(%arg6 : memref<32x768xf32, #tpu.memory_space<vmem>>) target_semaphore(%arg11 : memref<!tpu.dma_semaphore, #tpu.memory_space<semaphore_mem>>)
    %add3A_20 = arith.constant 96 : i32
    %add3A_21 = arith.addi %mul3A_2, %add3A_20 : i32
    %dma_start3A_22 = arith.constant 0 : i32
    %dma_start3A_23 = tpu.memref_slice %arg2[%add3A_21, %dma_start3A_22] : memref<8192x768xf32, #tpu.memory_space<hbm>> -> memref<32x768xf32, #tpu.memory_space<hbm>>
    %dma_start3A_24 = arith.constant 0 : i32
    %dma_start3A_25 = tpu.memref_slice %arg2[%add3A_21, %dma_start3A_24] : memref<8192x768xf32, #tpu.memory_space<hbm>> -> memref<32x768xf32, #tpu.memory_space<hbm>>
    tpu.enqueue_dma source(%dma_start3A_25 : memref<32x768xf32, #tpu.memory_space<hbm>>) target(%arg7 : memref<32x768xf32, #tpu.memory_space<vmem>>) target_semaphore(%arg12 : memref<!tpu.dma_semaphore, #tpu.memory_space<semaphore_mem>>)
    %add3A_26 = arith.constant 128 : i32
    %add3A_27 = arith.addi %mul3A_2, %add3A_26 : i32
    %dma_start3A_28 = arith.constant 0 : i32
    %dma_start3A_29 = tpu.memref_slice %arg2[%add3A_27, %dma_start3A_28] : memref<8192x768xf32, #tpu.memory_space<hbm>> -> memref<32x768xf32, #tpu.memory_space<hbm>>
    %dma_start3A_30 = arith.constant 0 : i32
    %dma_start3A_31 = tpu.memref_slice %arg2[%add3A_27, %dma_start3A_30] : memref<8192x768xf32, #tpu.memory_space<hbm>> -> memref<32x768xf32, #tpu.memory_space<hbm>>
    tpu.enqueue_dma source(%dma_start3A_31 : memref<32x768xf32, #tpu.memory_space<hbm>>) target(%arg8 : memref<32x768xf32, #tpu.memory_space<vmem>>) target_semaphore(%arg13 : memref<!tpu.dma_semaphore, #tpu.memory_space<semaphore_mem>>)
    %dma_wait3A = arith.constant 0 : i32
    %dma_wait3A_32 = tpu.memref_slice %arg2[%add3A_4, %dma_wait3A] : memref<8192x768xf32, #tpu.memory_space<hbm>> -> memref<32x768xf32, #tpu.memory_space<hbm>>
    %dma_wait3A_33 = arith.constant 0 : i32
    %dma_wait3A_34 = tpu.memref_slice %arg2[%add3A_4, %dma_wait3A_33] : memref<8192x768xf32, #tpu.memory_space<hbm>> -> memref<32x768xf32, #tpu.memory_space<hbm>>
    tpu.wait_dma2 semaphore(%arg9 : memref<!tpu.dma_semaphore, #tpu.memory_space<semaphore_mem>>) src(%dma_wait3A_34 : memref<32x768xf32, #tpu.memory_space<hbm>>) dst(%arg4 : memref<32x768xf32, #tpu.memory_space<vmem>>)
    %add3A_35 = arith.constant 0 : i32
    %add3A_36 = arith.addi %mul3A_2, %add3A_35 : i32
    %dma_start3A_37 = arith.constant 0 : i32
    %dma_start3A_38 = tpu.memref_slice %arg3[%add3A_36, %dma_start3A_37] : memref<8192x768xf32, #tpu.memory_space<hbm>> -> memref<32x768xf32, #tpu.memory_space<hbm>>
    %dma_start3A_39 = arith.constant 0 : i32
    %dma_start3A_40 = tpu.memref_slice %arg3[%add3A_36, %dma_start3A_39] : memref<8192x768xf32, #tpu.memory_space<hbm>> -> memref<32x768xf32, #tpu.memory_space<hbm>>
    tpu.enqueue_dma source(%arg4 : memref<32x768xf32, #tpu.memory_space<vmem>>) target(%dma_start3A_40 : memref<32x768xf32, #tpu.memory_space<hbm>>) target_semaphore(%arg17 : memref<!tpu.dma_semaphore, #tpu.memory_space<semaphore_mem>>)
    %dma_wait3A_41 = arith.constant 0 : i32
    %dma_wait3A_42 = tpu.memref_slice %arg3[%add3A_36, %dma_wait3A_41] : memref<8192x768xf32, #tpu.memory_space<hbm>> -> memref<32x768xf32, #tpu.memory_space<hbm>>
    %dma_wait3A_43 = arith.constant 0 : i32
    %dma_wait3A_44 = tpu.memref_slice %arg3[%add3A_36, %dma_wait3A_43] : memref<8192x768xf32, #tpu.memory_space<hbm>> -> memref<32x768xf32, #tpu.memory_space<hbm>>
    tpu.wait_dma2 semaphore(%arg17 : memref<!tpu.dma_semaphore, #tpu.memory_space<semaphore_mem>>) src(%arg4 : memref<32x768xf32, #tpu.memory_space<vmem>>) dst(%dma_wait3A_44 : memref<32x768xf32, #tpu.memory_space<hbm>>)
    %add3A_45 = arith.constant 160 : i32
    %add3A_46 = arith.addi %mul3A_2, %add3A_45 : i32
    %dma_start3A_47 = arith.constant 0 : i32
    %dma_start3A_48 = tpu.memref_slice %arg2[%add3A_46, %dma_start3A_47] : memref<8192x768xf32, #tpu.memory_space<hbm>> -> memref<32x768xf32, #tpu.memory_space<hbm>>
    %dma_start3A_49 = arith.constant 0 : i32
    %dma_start3A_50 = tpu.memref_slice %arg2[%add3A_46, %dma_start3A_49] : memref<8192x768xf32, #tpu.memory_space<hbm>> -> memref<32x768xf32, #tpu.memory_space<hbm>>
    tpu.enqueue_dma source(%dma_start3A_50 : memref<32x768xf32, #tpu.memory_space<hbm>>) target(%arg4 : memref<32x768xf32, #tpu.memory_space<vmem>>) target_semaphore(%arg14 : memref<!tpu.dma_semaphore, #tpu.memory_space<semaphore_mem>>)
    %dma_wait3A_51 = arith.constant 0 : i32
    %dma_wait3A_52 = tpu.memref_slice %arg2[%add3A_9, %dma_wait3A_51] : memref<8192x768xf32, #tpu.memory_space<hbm>> -> memref<32x768xf32, #tpu.memory_space<hbm>>
    %dma_wait3A_53 = arith.constant 0 : i32
    %dma_wait3A_54 = tpu.memref_slice %arg2[%add3A_9, %dma_wait3A_53] : memref<8192x768xf32, #tpu.memory_space<hbm>> -> memref<32x768xf32, #tpu.memory_space<hbm>>
    tpu.wait_dma2 semaphore(%arg10 : memref<!tpu.dma_semaphore, #tpu.memory_space<semaphore_mem>>) src(%dma_wait3A_54 : memref<32x768xf32, #tpu.memory_space<hbm>>) dst(%arg5 : memref<32x768xf32, #tpu.memory_space<vmem>>)
    %add3A_55 = arith.constant 32 : i32
    %add3A_56 = arith.addi %mul3A_2, %add3A_55 : i32
    %dma_start3A_57 = arith.constant 0 : i32
    %dma_start3A_58 = tpu.memref_slice %arg3[%add3A_56, %dma_start3A_57] : memref<8192x768xf32, #tpu.memory_space<hbm>> -> memref<32x768xf32, #tpu.memory_space<hbm>>
    %dma_start3A_59 = arith.constant 0 : i32
    %dma_start3A_60 = tpu.memref_slice %arg3[%add3A_56, %dma_start3A_59] : memref<8192x768xf32, #tpu.memory_space<hbm>> -> memref<32x768xf32, #tpu.memory_space<hbm>>
    tpu.enqueue_dma source(%arg5 : memref<32x768xf32, #tpu.memory_space<vmem>>) target(%dma_start3A_60 : memref<32x768xf32, #tpu.memory_space<hbm>>) target_semaphore(%arg18 : memref<!tpu.dma_semaphore, #tpu.memory_space<semaphore_mem>>)
    %dma_wait3A_61 = arith.constant 0 : i32
    %dma_wait3A_62 = tpu.memref_slice %arg3[%add3A_56, %dma_wait3A_61] : memref<8192x768xf32, #tpu.memory_space<hbm>> -> memref<32x768xf32, #tpu.memory_space<hbm>>
    %dma_wait3A_63 = arith.constant 0 : i32
    %dma_wait3A_64 = tpu.memref_slice %arg3[%add3A_56, %dma_wait3A_63] : memref<8192x768xf32, #tpu.memory_space<hbm>> -> memref<32x768xf32, #tpu.memory_space<hbm>>
    tpu.wait_dma2 semaphore(%arg18 : memref<!tpu.dma_semaphore, #tpu.memory_space<semaphore_mem>>) src(%arg5 : memref<32x768xf32, #tpu.memory_space<vmem>>) dst(%dma_wait3A_64 : memref<32x768xf32, #tpu.memory_space<hbm>>)
    %add3A_65 = arith.constant 192 : i32
    %add3A_66 = arith.addi %mul3A_2, %add3A_65 : i32
    %dma_start3A_67 = arith.constant 0 : i32
    %dma_start3A_68 = tpu.memref_slice %arg2[%add3A_66, %dma_start3A_67] : memref<8192x768xf32, #tpu.memory_space<hbm>> -> memref<32x768xf32, #tpu.memory_space<hbm>>
    %dma_start3A_69 = arith.constant 0 : i32
    %dma_start3A_70 = tpu.memref_slice %arg2[%add3A_66, %dma_start3A_69] : memref<8192x768xf32, #tpu.memory_space<hbm>> -> memref<32x768xf32, #tpu.memory_space<hbm>>
    tpu.enqueue_dma source(%dma_start3A_70 : memref<32x768xf32, #tpu.memory_space<hbm>>) target(%arg5 : memref<32x768xf32, #tpu.memory_space<vmem>>) target_semaphore(%arg15 : memref<!tpu.dma_semaphore, #tpu.memory_space<semaphore_mem>>)
    %dma_wait3A_71 = arith.constant 0 : i32
    %dma_wait3A_72 = tpu.memref_slice %arg2[%add3A_15, %dma_wait3A_71] : memref<8192x768xf32, #tpu.memory_space<hbm>> -> memref<32x768xf32, #tpu.memory_space<hbm>>
    %dma_wait3A_73 = arith.constant 0 : i32
    %dma_wait3A_74 = tpu.memref_slice %arg2[%add3A_15, %dma_wait3A_73] : memref<8192x768xf32, #tpu.memory_space<hbm>> -> memref<32x768xf32, #tpu.memory_space<hbm>>
    tpu.wait_dma2 semaphore(%arg11 : memref<!tpu.dma_semaphore, #tpu.memory_space<semaphore_mem>>) src(%dma_wait3A_74 : memref<32x768xf32, #tpu.memory_space<hbm>>) dst(%arg6 : memref<32x768xf32, #tpu.memory_space<vmem>>)
    %add3A_75 = arith.constant 64 : i32
    %add3A_76 = arith.addi %mul3A_2, %add3A_75 : i32
    %dma_start3A_77 = arith.constant 0 : i32
    %dma_start3A_78 = tpu.memref_slice %arg3[%add3A_76, %dma_start3A_77] : memref<8192x768xf32, #tpu.memory_space<hbm>> -> memref<32x768xf32, #tpu.memory_space<hbm>>
    %dma_start3A_79 = arith.constant 0 : i32
    %dma_start3A_80 = tpu.memref_slice %arg3[%add3A_76, %dma_start3A_79] : memref<8192x768xf32, #tpu.memory_space<hbm>> -> memref<32x768xf32, #tpu.memory_space<hbm>>
    tpu.enqueue_dma source(%arg6 : memref<32x768xf32, #tpu.memory_space<vmem>>) target(%dma_start3A_80 : memref<32x768xf32, #tpu.memory_space<hbm>>) target_semaphore(%arg19 : memref<!tpu.dma_semaphore, #tpu.memory_space<semaphore_mem>>)
    %dma_wait3A_81 = arith.constant 0 : i32
    %dma_wait3A_82 = tpu.memref_slice %arg3[%add3A_76, %dma_wait3A_81] : memref<8192x768xf32, #tpu.memory_space<hbm>> -> memref<32x768xf32, #tpu.memory_space<hbm>>
    %dma_wait3A_83 = arith.constant 0 : i32
    %dma_wait3A_84 = tpu.memref_slice %arg3[%add3A_76, %dma_wait3A_83] : memref<8192x768xf32, #tpu.memory_space<hbm>> -> memref<32x768xf32, #tpu.memory_space<hbm>>
    tpu.wait_dma2 semaphore(%arg19 : memref<!tpu.dma_semaphore, #tpu.memory_space<semaphore_mem>>) src(%arg6 : memref<32x768xf32, #tpu.memory_space<vmem>>) dst(%dma_wait3A_84 : memref<32x768xf32, #tpu.memory_space<hbm>>)
    %add3A_85 = arith.constant 224 : i32
    %add3A_86 = arith.addi %mul3A_2, %add3A_85 : i32
    %dma_start3A_87 = arith.constant 0 : i32
    %dma_start3A_88 = tpu.memref_slice %arg2[%add3A_86, %dma_start3A_87] : memref<8192x768xf32, #tpu.memory_space<hbm>> -> memref<32x768xf32, #tpu.memory_space<hbm>>
    %dma_start3A_89 = arith.constant 0 : i32
    %dma_start3A_90 = tpu.memref_slice %arg2[%add3A_86, %dma_start3A_89] : memref<8192x768xf32, #tpu.memory_space<hbm>> -> memref<32x768xf32, #tpu.memory_space<hbm>>
    tpu.enqueue_dma source(%dma_start3A_90 : memref<32x768xf32, #tpu.memory_space<hbm>>) target(%arg6 : memref<32x768xf32, #tpu.memory_space<vmem>>) target_semaphore(%arg16 : memref<!tpu.dma_semaphore, #tpu.memory_space<semaphore_mem>>)
    %dma_wait3A_91 = arith.constant 0 : i32
    %dma_wait3A_92 = tpu.memref_slice %arg2[%add3A_21, %dma_wait3A_91] : memref<8192x768xf32, #tpu.memory_space<hbm>> -> memref<32x768xf32, #tpu.memory_space<hbm>>
    %dma_wait3A_93 = arith.constant 0 : i32
    %dma_wait3A_94 = tpu.memref_slice %arg2[%add3A_21, %dma_wait3A_93] : memref<8192x768xf32, #tpu.memory_space<hbm>> -> memref<32x768xf32, #tpu.memory_space<hbm>>
    tpu.wait_dma2 semaphore(%arg12 : memref<!tpu.dma_semaphore, #tpu.memory_space<semaphore_mem>>) src(%dma_wait3A_94 : memref<32x768xf32, #tpu.memory_space<hbm>>) dst(%arg7 : memref<32x768xf32, #tpu.memory_space<vmem>>)
    %add3A_95 = arith.constant 96 : i32
    %add3A_96 = arith.addi %mul3A_2, %add3A_95 : i32
    %dma_start3A_97 = arith.constant 0 : i32
    %dma_start3A_98 = tpu.memref_slice %arg3[%add3A_96, %dma_start3A_97] : memref<8192x768xf32, #tpu.memory_space<hbm>> -> memref<32x768xf32, #tpu.memory_space<hbm>>
    %dma_start3A_99 = arith.constant 0 : i32
    %dma_start3A_100 = tpu.memref_slice %arg3[%add3A_96, %dma_start3A_99] : memref<8192x768xf32, #tpu.memory_space<hbm>> -> memref<32x768xf32, #tpu.memory_space<hbm>>
    tpu.enqueue_dma source(%arg7 : memref<32x768xf32, #tpu.memory_space<vmem>>) target(%dma_start3A_100 : memref<32x768xf32, #tpu.memory_space<hbm>>) target_semaphore(%arg20 : memref<!tpu.dma_semaphore, #tpu.memory_space<semaphore_mem>>)
    %dma_wait3A_101 = arith.constant 0 : i32
    %dma_wait3A_102 = tpu.memref_slice %arg2[%add3A_27, %dma_wait3A_101] : memref<8192x768xf32, #tpu.memory_space<hbm>> -> memref<32x768xf32, #tpu.memory_space<hbm>>
    %dma_wait3A_103 = arith.constant 0 : i32
    %dma_wait3A_104 = tpu.memref_slice %arg2[%add3A_27, %dma_wait3A_103] : memref<8192x768xf32, #tpu.memory_space<hbm>> -> memref<32x768xf32, #tpu.memory_space<hbm>>
    tpu.wait_dma2 semaphore(%arg13 : memref<!tpu.dma_semaphore, #tpu.memory_space<semaphore_mem>>) src(%dma_wait3A_104 : memref<32x768xf32, #tpu.memory_space<hbm>>) dst(%arg8 : memref<32x768xf32, #tpu.memory_space<vmem>>)
    %add3A_105 = arith.constant 128 : i32
    %add3A_106 = arith.addi %mul3A_2, %add3A_105 : i32
    %dma_start3A_107 = arith.constant 0 : i32
    %dma_start3A_108 = tpu.memref_slice %arg3[%add3A_106, %dma_start3A_107] : memref<8192x768xf32, #tpu.memory_space<hbm>> -> memref<32x768xf32, #tpu.memory_space<hbm>>
    %dma_start3A_109 = arith.constant 0 : i32
    %dma_start3A_110 = tpu.memref_slice %arg3[%add3A_106, %dma_start3A_109] : memref<8192x768xf32, #tpu.memory_space<hbm>> -> memref<32x768xf32, #tpu.memory_space<hbm>>
    tpu.enqueue_dma source(%arg8 : memref<32x768xf32, #tpu.memory_space<vmem>>) target(%dma_start3A_110 : memref<32x768xf32, #tpu.memory_space<hbm>>) target_semaphore(%arg21 : memref<!tpu.dma_semaphore, #tpu.memory_space<semaphore_mem>>)
    %dma_wait3A_111 = arith.constant 0 : i32
    %dma_wait3A_112 = tpu.memref_slice %arg2[%add3A_46, %dma_wait3A_111] : memref<8192x768xf32, #tpu.memory_space<hbm>> -> memref<32x768xf32, #tpu.memory_space<hbm>>
    %dma_wait3A_113 = arith.constant 0 : i32
    %dma_wait3A_114 = tpu.memref_slice %arg2[%add3A_46, %dma_wait3A_113] : memref<8192x768xf32, #tpu.memory_space<hbm>> -> memref<32x768xf32, #tpu.memory_space<hbm>>
    tpu.wait_dma2 semaphore(%arg14 : memref<!tpu.dma_semaphore, #tpu.memory_space<semaphore_mem>>) src(%dma_wait3A_114 : memref<32x768xf32, #tpu.memory_space<hbm>>) dst(%arg4 : memref<32x768xf32, #tpu.memory_space<vmem>>)
    %add3A_115 = arith.constant 160 : i32
    %add3A_116 = arith.addi %mul3A_2, %add3A_115 : i32
    %dma_start3A_117 = arith.constant 0 : i32
    %dma_start3A_118 = tpu.memref_slice %arg3[%add3A_116, %dma_start3A_117] : memref<8192x768xf32, #tpu.memory_space<hbm>> -> memref<32x768xf32, #tpu.memory_space<hbm>>
    %dma_start3A_119 = arith.constant 0 : i32
    %dma_start3A_120 = tpu.memref_slice %arg3[%add3A_116, %dma_start3A_119] : memref<8192x768xf32, #tpu.memory_space<hbm>> -> memref<32x768xf32, #tpu.memory_space<hbm>>
    tpu.enqueue_dma source(%arg4 : memref<32x768xf32, #tpu.memory_space<vmem>>) target(%dma_start3A_120 : memref<32x768xf32, #tpu.memory_space<hbm>>) target_semaphore(%arg22 : memref<!tpu.dma_semaphore, #tpu.memory_space<semaphore_mem>>)
    %dma_wait3A_121 = arith.constant 0 : i32
    %dma_wait3A_122 = tpu.memref_slice %arg2[%add3A_66, %dma_wait3A_121] : memref<8192x768xf32, #tpu.memory_space<hbm>> -> memref<32x768xf32, #tpu.memory_space<hbm>>
    %dma_wait3A_123 = arith.constant 0 : i32
    %dma_wait3A_124 = tpu.memref_slice %arg2[%add3A_66, %dma_wait3A_123] : memref<8192x768xf32, #tpu.memory_space<hbm>> -> memref<32x768xf32, #tpu.memory_space<hbm>>
    tpu.wait_dma2 semaphore(%arg15 : memref<!tpu.dma_semaphore, #tpu.memory_space<semaphore_mem>>) src(%dma_wait3A_124 : memref<32x768xf32, #tpu.memory_space<hbm>>) dst(%arg5 : memref<32x768xf32, #tpu.memory_space<vmem>>)
    %add3A_125 = arith.constant 192 : i32
    %add3A_126 = arith.addi %mul3A_2, %add3A_125 : i32
    %dma_start3A_127 = arith.constant 0 : i32
    %dma_start3A_128 = tpu.memref_slice %arg3[%add3A_126, %dma_start3A_127] : memref<8192x768xf32, #tpu.memory_space<hbm>> -> memref<32x768xf32, #tpu.memory_space<hbm>>
    %dma_start3A_129 = arith.constant 0 : i32
    %dma_start3A_130 = tpu.memref_slice %arg3[%add3A_126, %dma_start3A_129] : memref<8192x768xf32, #tpu.memory_space<hbm>> -> memref<32x768xf32, #tpu.memory_space<hbm>>
    tpu.enqueue_dma source(%arg5 : memref<32x768xf32, #tpu.memory_space<vmem>>) target(%dma_start3A_130 : memref<32x768xf32, #tpu.memory_space<hbm>>) target_semaphore(%arg23 : memref<!tpu.dma_semaphore, #tpu.memory_space<semaphore_mem>>)
    %dma_wait3A_131 = arith.constant 0 : i32
    %dma_wait3A_132 = tpu.memref_slice %arg2[%add3A_86, %dma_wait3A_131] : memref<8192x768xf32, #tpu.memory_space<hbm>> -> memref<32x768xf32, #tpu.memory_space<hbm>>
    %dma_wait3A_133 = arith.constant 0 : i32
    %dma_wait3A_134 = tpu.memref_slice %arg2[%add3A_86, %dma_wait3A_133] : memref<8192x768xf32, #tpu.memory_space<hbm>> -> memref<32x768xf32, #tpu.memory_space<hbm>>
    tpu.wait_dma2 semaphore(%arg16 : memref<!tpu.dma_semaphore, #tpu.memory_space<semaphore_mem>>) src(%dma_wait3A_134 : memref<32x768xf32, #tpu.memory_space<hbm>>) dst(%arg6 : memref<32x768xf32, #tpu.memory_space<vmem>>)
    %add3A_135 = arith.constant 224 : i32
    %add3A_136 = arith.addi %mul3A_2, %add3A_135 : i32
    %dma_start3A_137 = arith.constant 0 : i32
    %dma_start3A_138 = tpu.memref_slice %arg3[%add3A_136, %dma_start3A_137] : memref<8192x768xf32, #tpu.memory_space<hbm>> -> memref<32x768xf32, #tpu.memory_space<hbm>>
    %dma_start3A_139 = arith.constant 0 : i32
    %dma_start3A_140 = tpu.memref_slice %arg3[%add3A_136, %dma_start3A_139] : memref<8192x768xf32, #tpu.memory_space<hbm>> -> memref<32x768xf32, #tpu.memory_space<hbm>>
    tpu.enqueue_dma source(%arg6 : memref<32x768xf32, #tpu.memory_space<vmem>>) target(%dma_start3A_140 : memref<32x768xf32, #tpu.memory_space<hbm>>) target_semaphore(%arg24 : memref<!tpu.dma_semaphore, #tpu.memory_space<semaphore_mem>>)
    %dma_wait3A_141 = arith.constant 0 : i32
    %dma_wait3A_142 = tpu.memref_slice %arg3[%add3A_96, %dma_wait3A_141] : memref<8192x768xf32, #tpu.memory_space<hbm>> -> memref<32x768xf32, #tpu.memory_space<hbm>>
    %dma_wait3A_143 = arith.constant 0 : i32
    %dma_wait3A_144 = tpu.memref_slice %arg3[%add3A_96, %dma_wait3A_143] : memref<8192x768xf32, #tpu.memory_space<hbm>> -> memref<32x768xf32, #tpu.memory_space<hbm>>
    tpu.wait_dma2 semaphore(%arg20 : memref<!tpu.dma_semaphore, #tpu.memory_space<semaphore_mem>>) src(%arg7 : memref<32x768xf32, #tpu.memory_space<vmem>>) dst(%dma_wait3A_144 : memref<32x768xf32, #tpu.memory_space<hbm>>)
    %dma_wait3A_145 = arith.constant 0 : i32
    %dma_wait3A_146 = tpu.memref_slice %arg3[%add3A_106, %dma_wait3A_145] : memref<8192x768xf32, #tpu.memory_space<hbm>> -> memref<32x768xf32, #tpu.memory_space<hbm>>
    %dma_wait3A_147 = arith.constant 0 : i32
    %dma_wait3A_148 = tpu.memref_slice %arg3[%add3A_106, %dma_wait3A_147] : memref<8192x768xf32, #tpu.memory_space<hbm>> -> memref<32x768xf32, #tpu.memory_space<hbm>>
    tpu.wait_dma2 semaphore(%arg21 : memref<!tpu.dma_semaphore, #tpu.memory_space<semaphore_mem>>) src(%arg8 : memref<32x768xf32, #tpu.memory_space<vmem>>) dst(%dma_wait3A_148 : memref<32x768xf32, #tpu.memory_space<hbm>>)
    %dma_wait3A_149 = arith.constant 0 : i32
    %dma_wait3A_150 = tpu.memref_slice %arg3[%add3A_116, %dma_wait3A_149] : memref<8192x768xf32, #tpu.memory_space<hbm>> -> memref<32x768xf32, #tpu.memory_space<hbm>>
    %dma_wait3A_151 = arith.constant 0 : i32
    %dma_wait3A_152 = tpu.memref_slice %arg3[%add3A_116, %dma_wait3A_151] : memref<8192x768xf32, #tpu.memory_space<hbm>> -> memref<32x768xf32, #tpu.memory_space<hbm>>
    tpu.wait_dma2 semaphore(%arg22 : memref<!tpu.dma_semaphore, #tpu.memory_space<semaphore_mem>>) src(%arg4 : memref<32x768xf32, #tpu.memory_space<vmem>>) dst(%dma_wait3A_152 : memref<32x768xf32, #tpu.memory_space<hbm>>)
    %dma_wait3A_153 = arith.constant 0 : i32
    %dma_wait3A_154 = tpu.memref_slice %arg3[%add3A_126, %dma_wait3A_153] : memref<8192x768xf32, #tpu.memory_space<hbm>> -> memref<32x768xf32, #tpu.memory_space<hbm>>
    %dma_wait3A_155 = arith.constant 0 : i32
    %dma_wait3A_156 = tpu.memref_slice %arg3[%add3A_126, %dma_wait3A_155] : memref<8192x768xf32, #tpu.memory_space<hbm>> -> memref<32x768xf32, #tpu.memory_space<hbm>>
    tpu.wait_dma2 semaphore(%arg23 : memref<!tpu.dma_semaphore, #tpu.memory_space<semaphore_mem>>) src(%arg5 : memref<32x768xf32, #tpu.memory_space<vmem>>) dst(%dma_wait3A_156 : memref<32x768xf32, #tpu.memory_space<hbm>>)
    %dma_wait3A_157 = arith.constant 0 : i32
    %dma_wait3A_158 = tpu.memref_slice %arg3[%add3A_136, %dma_wait3A_157] : memref<8192x768xf32, #tpu.memory_space<hbm>> -> memref<32x768xf32, #tpu.memory_space<hbm>>
    %dma_wait3A_159 = arith.constant 0 : i32
    %dma_wait3A_160 = tpu.memref_slice %arg3[%add3A_136, %dma_wait3A_159] : memref<8192x768xf32, #tpu.memory_space<hbm>> -> memref<32x768xf32, #tpu.memory_space<hbm>>
    tpu.wait_dma2 semaphore(%arg24 : memref<!tpu.dma_semaphore, #tpu.memory_space<semaphore_mem>>) src(%arg6 : memref<32x768xf32, #tpu.memory_space<vmem>>) dst(%dma_wait3A_160 : memref<32x768xf32, #tpu.memory_space<hbm>>)
    return
  }
}

</mosaic_0001>

<sc_bundles>
// kernel: kernel.3.cloned.1.call-start
scs
__scs_entry_jumppad:
0x0: {  	(pc) =	sbr.rel $0x88, $3  }
0x1: {  	(tag) =	ssettag $0x0;
	lr =	simm.s32 $0x1  }
0x2: {  	[smem:$0x3FA0] =	sst lr;
	_ =	strace $0xD0000000  }
0x3: {  	_ = 	snop  }
0x4: {  	_ = 	snop  }
0x5: {  	_ = 	snop  }
0x6: {  	_ = 	snop  }
0x7: {  	_ = 	snop  }
__scs_overlays_trampoline_lowered:
0x8: {  	[smem:$0x3FAF] =	sst s0  }
0x9: {  	[smem:$0x3FB0] =	sst s1  }
0xa: {  	[smem:$0x3FB1] =	sst s2  }
0xb: {  	[smem:$0x3FB2] =	sst s3  }
0xc: {  	[smem:$0x3FB3] =	sst s4  }
0xd: {  	[smem:$0x3FB4] =	sst s5  }
0xe: {  	[smem:$0x3FB5] =	sst s6  }
0xf: {  	[smem:$0x3FB6] =	sst s7  }
0x10: {  	[smem:$0x3FB7] =	sst s8  }
0x11: {  	[smem:$0x3FB8] =	sst s9;
	s0 =	simm.s32 @!p0 $0x0  }
0x12: {  	s1 =	sld [smem:$0x3F9E];
	s0 =	simm.s32 @p0 $0x1  }
0x13: {  	[smem:$0x3FB9] =	sst s0;
	s0 =	simm.s32 @!p1 $0x0  }
0x14: {  	s2 =	sld [smem:$0x3F9D];
	s0 =	simm.s32 @p1 $0x1  }
0x15: {  	[smem:$0x3FBA] =	sst s0;
	s0 =	simm.s32 @!p2 $0x0  }
0x16: {  	s3 =	sld [smem:$0x3FDB];
	s0 =	simm.s32 @p2 $0x1  }
0x17: {  	s4 =	simm.s32 $0x1BF5;
	[smem:$0x3FBC] =	sst s0  }
0x18: {  	s0 =	sld [smem:$0x3F9F];
	_ =	swait.ge [sflag:s4], $0x0  }
0x19: {  	s7 =	sld [smem:$0x3FA0]  }
0x1a: {  	s8 =	sadd.s32 $0xFFFFE003, lr  }
0x1b: {  	s9 =	sadd.s32 $0xFFFFFEF7, lr;
	s5 =	simm.s32 $0xFFFFFFFF;
	p2 =	slt.u32 s8, $0xFFFFF086  }
0x1c: {  	p1 =	slt.u32 s9, $0xF7A;
	s5 =	simm.s32 @!p2 $0x0  }
0x1d: {  	s5 =	simm.s32 @p1 $0x1;
	p0 =	seq.s32 s7, s2  }
0x1e: {  	s7 =	smul.u32 @!p0 $0xF7A, s2;
	p2 =	seq.s32 @!p0 s5, $0x0  }
0x1f: {  	s9 =	smul.u32 $0xF7A, s1;
	s8 =	simm.s32 @!p0 $0x1BF5;
	p2 =	por !p2, p0  }
0x20: {  	[sflag:s8] =	ssyncset.s32 @!p0 $0xFFFFF086;
	s6 =	sadd.s32 @!p0 s3, s7;
	s7 =	simm.s32 @!p0 $0x108  }
0x21: {  	s3 =	sadd.s32 s3, s9;
	s6 =	sadd.s32 @!p0 $0x88, s6;
	s7 =	simm.s32 @p2 $0x1082  }
0x22: {  	[simem:s7], [sflag:s8] =	dma.local @!p0 [hbm:s6], $0xF7A  }
0x23: {  	s9 =	sor.u32 $0xD0000000, s2;
	s6 =	simm.s32 $0x108;
	_ =	swait.ge @!p0 [sflag:s8], $0x0  }
0x24: {  	s3 =	sadd.s32 $0x88, s3;
	s6 =	simm.s32 @!p1 $0x1082;
	[sflag:s4] =	ssyncset.s32 $0xFFFFF086  }
0x25: {  	[simem:s6], [sflag:s4] =	dma.local [hbm:s3], $0xF7A  }
0x26: {  	[smem:$0x3FA0] =	sst s1;
	(tag) =	ssettag s2;
	_ =	strace s9  }
0x27: {  	s1 =	sld [smem:$0x3FB0]  }
0x28: {  	s2 =	sld [smem:$0x3FB1]  }
0x29: {  	s4 =	sld [smem:$0x3FB3]  }
0x2a: {  	p0 =	seq.s32 s5, $0x0;
	s5 =	sld [smem:$0x3FB4]  }
0x2b: {  	s6 =	sld [smem:$0x3FB5]  }
0x2c: {  	s7 =	sld [smem:$0x3FB6]  }
0x2d: {  	s3 =	simm.s32 $0x108;
	s8 =	sld [smem:$0x3FB7]  }
0x2e: {  	s3 =	simm.s32 @!p0 $0x1082;
	s9 =	sld [smem:$0x3FB8]  }
0x2f: {  	lr =	sadd.s32 s0, s3;
	s0 =	sld [smem:$0x3FAF]  }
0x30: {  	s3 =	sld [smem:$0x3FB2]  }
0x31: {  	[smem:$0x3FBB] =	sst s10  }
0x32: {  	s10 =	sld [smem:$0x3FB9];
	_ =	sdelay $0x3  }
0x33: {  	p0 =	seq.s32 s10, $0x1;
	s10 =	sld [smem:$0x3FBB];
	_ =	sdelay $0x3  }
0x34: {  	[smem:$0x3FBB] =	sst s10  }
0x35: {  	s10 =	sld [smem:$0x3FBA];
	_ =	sdelay $0x3  }
0x36: {  	p1 =	seq.s32 s10, $0x1;
	s10 =	sld [smem:$0x3FBB];
	_ =	sdelay $0x3  }
0x37: {  	[smem:$0x3FBB] =	sst s10  }
0x38: {  	s10 =	sld [smem:$0x3FBC]  }
0x39: {  	_ = 	snop;
	(pc) =	sbr.ind lr, $3  }
0x3a: {  	_ = 	snop  }
0x3b: {  	_ = 	snop  }
0x3c: {  	p2 =	seq.s32 s10, $0x1;
	s10 =	sld [smem:$0x3FBB]  }
0x3d: {  	_ =	shalt  }
0x3e: {  	_ =	shalt  }
0x3f: {  	_ =	shalt  }
0x40: {  	_ =	shalt  }
0x41: {  	_ =	shalt  }
0x42: {  	_ =	shalt  }
0x43: {  	_ =	shalt  }
0x44: {  	_ =	shalt  }
0x45: {  	_ =	shalt  }
0x46: {  	_ =	shalt  }
0x47: {  	_ =	shalt  }
0x48: {  	_ =	shalt  }
0x49: {  	_ =	shalt  }
0x4a: {  	_ =	shalt  }
0x4b: {  	_ =	shalt  }
0x4c: {  	_ =	shalt  }
0x4d: {  	_ =	shalt  }
0x4e: {  	_ =	shalt  }
0x4f: {  	_ =	shalt  }
0x50: {  	_ =	shalt  }
0x51: {  	_ =	shalt  }
0x52: {  	_ =	shalt  }
0x53: {  	_ =	shalt  }
0x54: {  	_ =	shalt  }
0x55: {  	_ =	shalt  }
0x56: {  	_ =	shalt  }
0x57: {  	_ =	shalt  }
0x58: {  	_ =	shalt  }
0x59: {  	_ =	shalt  }
0x5a: {  	_ =	shalt  }
0x5b: {  	_ =	shalt  }
0x5c: {  	_ =	shalt  }
0x5d: {  	_ =	shalt  }
0x5e: {  	_ =	shalt  }
0x5f: {  	_ =	shalt  }
0x60: {  	_ =	shalt  }
0x61: {  	_ =	shalt  }
0x62: {  	_ =	shalt  }
0x63: {  	_ =	shalt  }
0x64: {  	_ =	shalt  }
0x65: {  	_ =	shalt  }
0x66: {  	_ =	shalt  }
0x67: {  	_ =	shalt  }
0x68: {  	_ =	shalt  }
0x69: {  	_ =	shalt  }
0x6a: {  	_ =	shalt  }
0x6b: {  	_ =	shalt  }
0x6c: {  	_ =	shalt  }
0x6d: {  	_ =	shalt  }
0x6e: {  	_ =	shalt  }
0x6f: {  	_ =	shalt  }
0x70: {  	_ =	shalt  }
0x71: {  	_ =	shalt  }
0x72: {  	_ =	shalt  }
0x73: {  	_ =	shalt  }
0x74: {  	_ =	shalt  }
0x75: {  	_ =	shalt  }
0x76: {  	_ =	shalt  }
0x77: {  	_ =	shalt  }
0x78: {  	_ =	shalt  }
0x79: {  	_ =	shalt  }
0x7a: {  	_ =	shalt  }
0x7b: {  	_ =	shalt  }
0x7c: {  	_ =	shalt  }
0x7d: {  	_ =	shalt  }
0x7e: {  	_ =	shalt  }
0x7f: {  	_ =	shalt  }
0x80: {  	_ =	shalt  }
0x81: {  	_ =	shalt  }
0x82: {  	_ =	shalt  }
0x83: {  	_ =	shalt  }
0x84: {  	_ =	shalt  }
0x85: {  	_ =	shalt  }
0x86: {  	_ =	shalt  }
0x87: {  	_ =	shalt  }
.Lfunc_end0:
.L_simem_size_0:
called_computation_lowered:
.L_overlay_start_0:
0x88: {  	s2 =	sld [smem:$0x3FD9]  }
0x89: {  	s3 =	sld [smem:$0x3FFE];
	_ =	sdelay $0x1  }
0x8a: {  	s1 =	srdreg.scid  }
0x8b: {  	s0 =	sand.u32 $0x1, s1  }
0x8c: {  	s18 =	sshll.u32 s0, $0xA;
	s2 =	sadd.s32 s3, s2  }
0x8d: {  	s2 =	sadd.s32 s2, s18  }
0x8e: {  	[smem:$0x3FC7] =	sst s2  }
0x8f: {  	_ = 	snop  }
0x90: {  	s2 =	sld [smem:$0x3FC9]  }
0x91: {  	s19 =	sld [smem:$0x3FD0];
	(tm) =	ssettm $0x1  }
0x92: {  	s4 =	sld [smem:$0x3FFB];
	_ =	sdelay $0x3  }
0x93: {  	_ =	strace s4  }
0x94: {  	s4 =	sld [smem:$0x3FFC];
	_ =	sdelay $0x3  }
0x95: {  	_ =	strace s4  }
0x96: {  	s4 =	sld [smem:$0x3FFD];
	_ =	sdelay $0x3  }
0x97: {  	_ =	strace s4  }
0x98: {  	_ =	strace $0x8FFFFFFF  }
0x99: {  	s20 =	sld [smem:$0x3FDB];
	_ =	sdelay $0x1  }
0x9a: {  	s5 =	simm.s32 $_scs_section_size  }
0x9b: {  	s6 =	simm.s32 $_size__tile_overlayer_lowered;
	s7 =	simm.s32 $_tile_overlayer_lowered  }
0x9c: {  	s23 =	simm.s32 $0x1BFF;
	s22 =	sshll.u32 s7, $0x1;
	s4 =	sadd.s32 s5, s20  }
0x9d: {  	s8 =	simm.s32 $0x0;
	s21 =	sshll.u32 s6, $0x1;
	s6 =	sadd.s32 s22, s4  }
0x9e: {  	[timem:s8], [sflag:s23] =	dma.local [hbm:s6], s21  }
0x9f: {  	_ =	swait.ge [sflag:s23], s21  }
0xa0: {  	s5 =	ssub.s32 $0x0, s21;
	[sflag:s23] =	ssyncset.done $0x0  }
0xa1: {  	[sflag:s23] =	ssyncadd.s32 s5;
	_ =	sdelay $0x1  }
0xa2: {  	s24 =	simm.s32 $0x1B8B  }
0xa3: {  	_ =	swait.ge [sflag:s24], $0x1  }
0xa4: {  	[sflag:s24] =	ssyncset.done $0x0  }
0xa5: {  	s25 =	simm.s32 $0x1B8E;
	[sflag:s24] =	ssyncadd.s32 $0xFFFFFFFF  }
0xa6: {  	s26 =	simm.s32 $execute0_lowered;
	[smem:$0x3FD2] =	sst s25  }
0xa7: {  	s5 =	sshll.u32 s26, $0x1;
	_ =	strace $0x80000046;
	[dreg:$0x1] =	wrdreg $0xFFFFFFFF  }
0xa8: {  	s28 =	simm.s32 $_size_execute0_lowered;
	s4 =	sadd.s32 s4, s5;
	[dreg:$0x0] =	wrdreg $0x0  }
0xa9: {  	s5 =	sshll.u32 s28, $0x1;
	[dreg:$0x2] =	wrdreg s4  }
0xaa: {  	[dreg:$0x3] =	wrdreg s5  }
0xab: {  	[dreg:$0x4] =	wrdreg $0xC0  }
0xac: {  	_ =	task [dreg:s8], $0x5FFFF  }
0xad: {  	[dreg:$0x1] =	wrdreg $0xFFFFFFFF  }
0xae: {  	[dreg:$0x0] =	wrdreg $0x60  }
0xaf: {  	[dreg:$0x2] =	wrdreg s2  }
0xb0: {  	[dreg:$0x3] =	wrdreg s19  }
0xb1: {  	[dreg:$0x4] =	wrdreg $0x9  }
0xb2: {  	_ =	task.clear_ibuf [dreg:s8], $0x5FFFF;
	_ =	strace $0x90000046  }
0xb3: {  	s29 =	simm.s32 $0x9;
	_ =	strace $0x80000048  }
0xb4: {  	_ =	swait.ge [sflag:s29], $0x1  }
0xb5: {  	[sflag:s29] =	ssyncadd.s32 $0xFFFFFFFF  }
0xb6: {  	_ =	strace $0x90000048  }
0xb7: {  	_ =	sfence  }
0xb8: {  	s30 =	sld [smem:$0x0];
	_ =	sdelay $0x2  }
0xb9: {  	s31 =	sshll.u32 s1, $0xD;
	s1 =	sshrl.u32 s1, $0x2  }
0xba: {  	s3 =	sand.u32 $0x4000, s31;
	s1 =	sadd.s32 s1, s30  }
0xbb: {  	s0 =	sor.u32 s3, s0;
	s1 =	sshll.u32 s1, $0x11  }
0xbc: {  	s0 =	sor.u32 s1, s0  }
0xbd: {  	s0 =	sadd.s32 $0x8F2B, s0  }
0xbe: {  	[sflag:s0] =	ssyncadd.remote.s32 $0x1  }
0xbf: {  	_ =	sfence.sel $0xFFFF  }
0xc0: {  	[dreg:$0x0] =	wrdreg $0xFFFFFFFF;
	(pc) =	sbr.abs _section_cstart, $3  }
0xc1: {  	[dreg:$0x1] =	wrdreg $0xFFFFFFFF  }
0xc2: {  	_ =	task.clear_ibuf [dreg:s8], $0x2FFFF;
	_ =	strace $0x9FFFFFFF  }
0xc3: {  	(tm) =	ssettm $0x7FFFFFFF  }
tec
execute0_lowered:
.L_overlay_start_1:
0x0: {  	(tag) =	ssettag $0x1  }
0x1: {  	s0 =	srdreg.scid;
	s1 =	rddreg [dreg:$0x0]  }
0x2: {  	s2 =	stileid.u32;
	s5 =	rddreg [dreg:$0x1];
	s18 =	simm.s32 $0x12000  }
0x3: {  	s15 =	simm.s32 $0x18000;
	s31 =	simm.s32 $0x1;
	s30 =	simm.s32 $0x9  }
0x4: {  	s29 =	simm.s32 $0x2;
	s28 =	simm.s32 $0xA;
	p0 =	por $0x0, $0x0  }
0x5: {  	s16 =	simm.s32 $0xC;
	s14 =	simm.s32 $0xD;
	s0 =	sand.u32 $0x1, s0  }
0x6: {  	s12 =	simm.s32 $0xE;
	s2 =	sshll.u32 s2, $0x6;
	s3 =	sshll.u32 s0, $0x5  }
0x7: {  	s0 =	ssub.s32 $0x2, s0;
	s3 =	sor.u32 s3, s2;
	s2 =	simm.s32 $0x0  }
0x8: {  	s11 =	sshrl.u32 s0, $0x1;
	s4 =	smul.u32 $0x300, s3;
	[smem:$0x7FF] =	sst s2  }
0x9: {  	s3 =	smul.u32 $0x1800, s3;
	s0 =	ssub.s32 s0, s11;
	_ =	strace $0x80000047  }
0xa: {  	s0 =	smax.u32 s0, $0x1;
	s6 =	sadd.s32 s1, s4;
	s19 =	sor.u32 $0xC00, s4  }
0xb: {  	s8 =	sor.u32 $0x1800, s4;
	s3 =	sshrl.u32 s3, $0x3;
	s4 =	sadd.s32 s5, s4  }
0xc: {  	p1 =	sne.s32 s0, $0x1;
	[dreg:$0x3] =	wrdreg s6;
	s7 =	sadd.s32 s1, s19  }
0xd: {  	s20 =	sadd.s32 s1, s8;
	s9 =	sadd.s32 $0x2400, s3;
	s10 =	sadd.s32 $0x3000, s3  }
0xe: {  	s23 =	sadd.s32 $0x3C00, s3;
	[dreg:$0x8] =	wrdreg s4;
	s25 =	sadd.s32 s5, s19  }
0xf: {  	s26 =	sadd.s32 $0x4800, s3;
	s3 =	sadd.s32 $0x5400, s3;
	[dreg:$0x4] =	wrdreg s7  }
0x10: {  	s17 =	sadd.s32 s5, s8;
	s19 =	simm.s32 $0x7;
	[dreg:$0x5] =	wrdreg s20  }
0x11: {  	s21 =	sadd.s32 s1, s9;
	s22 =	sadd.s32 s1, s10;
	s24 =	sadd.s32 s1, s23  }
0x12: {  	[dreg:$0xa] =	wrdreg s25;
	s13 =	sadd.s32 s1, s3;
	s11 =	sadd.s32 s5, s9  }
0x13: {  	s8 =	sadd.s32 s5, s10;
	s6 =	sadd.s32 s5, s23;
	s4 =	sadd.s32 s5, s26  }
0x14: {  	s3 =	sadd.s32 s5, s3;
	s7 =	simm.s32 $0x6000;
	s5 =	simm.s32 $0xC000  }
.Ltmp0:
0x15: {  	s25 =	simm.s32 $0xB;
	[dreg:$0x6] =	wrdreg s21;
	(pc) =	sbr.rel @!p1 .LBB2_3-.Ltmp0, $4  }
0x16: {  	s23 =	simm.s32 $0x5;
	s20 =	simm.s32 $0x8;
	[dreg:$0x7] =	wrdreg s22  }
0x17: {  	s10 =	simm.s32 $0xF;
	s9 =	simm.s32 $0x10;
	[dreg:$0x9] =	wrdreg s24  }
0x18: {  	s21 =	sadd.s32 s1, s26;
	s26 =	simm.s32 $0x3;
	s24 =	simm.s32 $0x4  }
0x19: {  	s22 =	simm.s32 $0x6;
	s1 =	sadd.s32 $0xFFFFFFFF, s0;
	s0 =	rddreg [dreg:$0x3]  }
0x1a: {  	[dreg:$0xb] =	wrdreg s1  }
0x1b: {  	[tilespmem:s2], [sflag:$0x1] =	stream.linear.gather [hbm4b:s0+s2], $0x6000, $0x38;
	[tilespmem:$0x1E000] =	vst v63  }
0x1c: {  	s1 =	rddreg [dreg:$0x4]  }
0x1d: {  	[tilespmem:s7], [sflag:$0x2] =	stream.linear.gather [hbm4b:s1+s2], $0x6000, $0x38;
	[tilespmem:$0x1E000] =	vst v63  }
0x1e: {  	s0 =	rddreg [dreg:$0x5]  }
0x1f: {  	[tilespmem:s5], [sflag:$0x3] =	stream.linear.gather [hbm4b:s0+s2], $0x6000, $0x38;
	[tilespmem:$0x1E000] =	vst v63  }
0x20: {  	s1 =	rddreg [dreg:$0x6]  }
0x21: {  	[tilespmem:s18], [sflag:$0x4] =	stream.linear.gather [hbm4b:s1+s2], $0x6000, $0x38;
	[tilespmem:$0x1E000] =	vst v63  }
0x22: {  	s0 =	rddreg [dreg:$0x7]  }
0x23: {  	[tilespmem:s15], [sflag:$0x5] =	stream.linear.gather [hbm4b:s0+s2], $0x6000, $0x38;
	[tilespmem:$0x1E000] =	vst v63  }
0x24: {  	_ =	swait.ge [sflag:s31], $0x6000  }
0x25: {  	[sflag:s31] =	ssyncset.done $0x0  }
0x26: {  	s1 =	rddreg [dreg:$0x8];
	[sflag:s31] =	ssyncadd.s32 $0xFFFFA000  }
0x27: {  	[hbm4b:s1+s2] =	stream.linear.scatter [tilespmem:s2], [sflag:$0x9], $0x6000, $0x38;
	[tilespmem:$0x1E000] =	vst v63  }
0x28: {  	_ =	swait.ge [sflag:s30], $0x6000  }
0x29: {  	[sflag:s30] =	ssyncset.done $0x0  }
0x2a: {  	s1 =	rddreg [dreg:$0x9];
	[sflag:s30] =	ssyncadd.s32 $0xFFFFA000  }
0x2b: {  	[tilespmem:s2], [sflag:$0x6] =	stream.linear.gather [hbm4b:s1+s2], $0x6000, $0x38;
	[tilespmem:$0x1E000] =	vst v63  }
0x2c: {  	_ =	swait.ge [sflag:s29], $0x6000  }
0x2d: {  	[sflag:s29] =	ssyncset.done $0x0  }
0x2e: {  	s1 =	rddreg [dreg:$0xa];
	[sflag:s29] =	ssyncadd.s32 $0xFFFFA000  }
0x2f: {  	[hbm4b:s1+s2] =	stream.linear.scatter [tilespmem:s7], [sflag:$0xA], $0x6000, $0x38;
	[tilespmem:$0x1E000] =	vst v63  }
0x30: {  	_ =	swait.ge [sflag:s28], $0x6000  }
0x31: {  	[sflag:s28] =	ssyncset.done $0x0  }
0x32: {  	[sflag:s28] =	ssyncadd.s32 $0xFFFFA000  }
0x33: {  	[tilespmem:s7], [sflag:$0x7] =	stream.linear.gather [hbm4b:s21+s2], $0x6000, $0x38;
	[tilespmem:$0x1E000] =	vst v63  }
0x34: {  	_ =	swait.ge [sflag:s26], $0x6000  }
0x35: {  	[sflag:s26] =	ssyncset.done $0x0  }
0x36: {  	[sflag:s26] =	ssyncadd.s32 $0xFFFFA000  }
0x37: {  	[hbm4b:s17+s2] =	stream.linear.scatter [tilespmem:s5], [sflag:$0xB], $0x6000, $0x38;
	[tilespmem:$0x1E000] =	vst v63  }
0x38: {  	_ =	swait.ge [sflag:s25], $0x6000  }
0x39: {  	[sflag:s25] =	ssyncset.done $0x0  }
0x3a: {  	[sflag:s25] =	ssyncadd.s32 $0xFFFFA000  }
0x3b: {  	[tilespmem:s5], [sflag:$0x8] =	stream.linear.gather [hbm4b:s13+s2], $0x6000, $0x38;
	[tilespmem:$0x1E000] =	vst v63  }
0x3c: {  	_ =	swait.ge [sflag:s24], $0x6000  }
0x3d: {  	[sflag:s24] =	ssyncset.done $0x0  }
0x3e: {  	[sflag:s24] =	ssyncadd.s32 $0xFFFFA000  }
0x3f: {  	[hbm4b:s11+s2] =	stream.linear.scatter [tilespmem:s18], [sflag:$0xC], $0x6000, $0x38;
	[tilespmem:$0x1E000] =	vst v63  }
0x40: {  	_ =	swait.ge [sflag:s23], $0x6000  }
0x41: {  	[sflag:s23] =	ssyncset.done $0x0  }
0x42: {  	[sflag:s23] =	ssyncadd.s32 $0xFFFFA000  }
0x43: {  	[hbm4b:s8+s2] =	stream.linear.scatter [tilespmem:s15], [sflag:$0xD], $0x6000, $0x38;
	[tilespmem:$0x1E000] =	vst v63  }
0x44: {  	_ =	swait.ge [sflag:s22], $0x6000  }
0x45: {  	[sflag:s22] =	ssyncset.done $0x0  }
0x46: {  	[sflag:s22] =	ssyncadd.s32 $0xFFFFA000  }
0x47: {  	[hbm4b:s6+s2] =	stream.linear.scatter [tilespmem:s2], [sflag:$0xE], $0x6000, $0x38;
	[tilespmem:$0x1E000] =	vst v63  }
0x48: {  	_ =	swait.ge [sflag:s19], $0x6000  }
0x49: {  	[sflag:s19] =	ssyncset.done $0x0  }
0x4a: {  	[sflag:s19] =	ssyncadd.s32 $0xFFFFA000  }
0x4b: {  	[hbm4b:s4+s2] =	stream.linear.scatter [tilespmem:s7], [sflag:$0xF], $0x6000, $0x38;
	[tilespmem:$0x1E000] =	vst v63  }
0x4c: {  	_ =	swait.ge [sflag:s20], $0x6000  }
0x4d: {  	[sflag:s20] =	ssyncset.done $0x0  }
0x4e: {  	[sflag:s20] =	ssyncadd.s32 $0xFFFFA000  }
0x4f: {  	[hbm4b:s3+s2] =	stream.linear.scatter [tilespmem:s5], [sflag:$0x10], $0x6000, $0x38;
	[tilespmem:$0x1E000] =	vst v63  }
0x50: {  	_ =	swait.ge [sflag:s16], $0x6000  }
0x51: {  	[sflag:s16] =	ssyncset.done $0x0  }
0x52: {  	[sflag:s16] =	ssyncadd.s32 $0xFFFFA000  }
0x53: {  	_ =	swait.ge [sflag:s14], $0x6000  }
0x54: {  	[sflag:s14] =	ssyncset.done $0x0  }
0x55: {  	[sflag:s14] =	ssyncadd.s32 $0xFFFFA000  }
0x56: {  	_ =	swait.ge [sflag:s12], $0x6000  }
0x57: {  	[sflag:s12] =	ssyncset.done $0x0  }
0x58: {  	[sflag:s12] =	ssyncadd.s32 $0xFFFFA000  }
0x59: {  	_ =	swait.ge [sflag:s10], $0x6000  }
0x5a: {  	s1 =	rddreg [dreg:$0xb]  }
0x5b: {  	p1 =	sne.s32 s1, $0x1  }
.Ltmp1:
0x5c: {  	_ = 	snop;
	(pc) =	sbr.rel @!p1 .LBB2_3-.Ltmp1, $4  }
0x5d: {  	[sflag:s10] =	ssyncset.done $0x0  }
0x5e: {  	[sflag:s10] =	ssyncadd.s32 $0xFFFFA000  }
0x5f: {  	p0 =	por $0x1, $0x1;
	_ =	swait.ge [sflag:s9], $0x6000  }
0x60: {  	s1 =	sadd.s32 $0xFFFFFFFF, s1;
	s0 =	rddreg [dreg:$0x3];
	[sflag:s9] =	ssyncset.done $0x0  }
.LBB2_2:
0x61: {  	[sflag:s9] =	ssyncadd.s32 $0xFFFFA000;
	s15 =	smov.u32 s13  }
0x62: {  	s13 =	smov.u32 s11;
	s11 =	smov.u32 s8;
	s8 =	smov.u32 s6  }
0x63: {  	[tilespmem:s2], [sflag:$0x1] =	stream.linear.gather [hbm4b:s0+s2], $0x6000, $0x38;
	[tilespmem:$0x1E000] =	vst v63  }
0x64: {  	s6 =	smov.u32 s4;
	s4 =	smov.u32 s3;
	s3 =	rddreg [dreg:$0x4]  }
0x65: {  	[tilespmem:s7], [sflag:$0x2] =	stream.linear.gather [hbm4b:s3+s2], $0x6000, $0x38;
	[tilespmem:$0x1E000] =	vst v63  }
0x66: {  	s0 =	rddreg [dreg:$0x5]  }
0x67: {  	[tilespmem:s5], [sflag:$0x3] =	stream.linear.gather [hbm4b:s0+s2], $0x6000, $0x38;
	[tilespmem:$0x1E000] =	vst v63  }
0x68: {  	s3 =	rddreg [dreg:$0x6]  }
0x69: {  	[tilespmem:s18], [sflag:$0x4] =	stream.linear.gather [hbm4b:s3+s2], $0x6000, $0x38;
	[tilespmem:$0x1E000] =	vst v63  }
0x6a: {  	s0 =	rddreg [dreg:$0x7];
	s3 =	smov.u32 s4  }
0x6b: {  	s4 =	smov.u32 s6;
	s6 =	smov.u32 s8;
	s8 =	smov.u32 s11  }
0x6c: {  	s11 =	smov.u32 s13;
	s13 =	smov.u32 s15;
	s15 =	simm.s32 $0x18000  }
0x6d: {  	[tilespmem:s15], [sflag:$0x5] =	stream.linear.gather [hbm4b:s0+s2], $0x6000, $0x38;
	[tilespmem:$0x1E000] =	vst v63  }
0x6e: {  	_ =	swait.ge [sflag:s31], $0x6000  }
0x6f: {  	[sflag:s31] =	ssyncset.done $0x0  }
0x70: {  	s0 =	rddreg [dreg:$0x8];
	[sflag:s31] =	ssyncadd.s32 $0xFFFFA000  }
0x71: {  	[hbm4b:s0+s2] =	stream.linear.scatter [tilespmem:s2], [sflag:$0x9], $0x6000, $0x38;
	[tilespmem:$0x1E000] =	vst v63  }
0x72: {  	_ =	swait.ge [sflag:s30], $0x6000  }
0x73: {  	[sflag:s30] =	ssyncset.done $0x0  }
0x74: {  	s0 =	rddreg [dreg:$0x9];
	[sflag:s30] =	ssyncadd.s32 $0xFFFFA000  }
0x75: {  	[tilespmem:s2], [sflag:$0x6] =	stream.linear.gather [hbm4b:s0+s2], $0x6000, $0x38;
	[tilespmem:$0x1E000] =	vst v63  }
0x76: {  	_ =	swait.ge [sflag:s29], $0x6000  }
0x77: {  	[sflag:s29] =	ssyncset.done $0x0  }
0x78: {  	s0 =	rddreg [dreg:$0xa];
	[sflag:s29] =	ssyncadd.s32 $0xFFFFA000  }
0x79: {  	[hbm4b:s0+s2] =	stream.linear.scatter [tilespmem:s7], [sflag:$0xA], $0x6000, $0x38;
	[tilespmem:$0x1E000] =	vst v63  }
0x7a: {  	_ =	swait.ge [sflag:s28], $0x6000  }
0x7b: {  	[sflag:s28] =	ssyncset.done $0x0  }
0x7c: {  	[sflag:s28] =	ssyncadd.s32 $0xFFFFA000  }
0x7d: {  	[tilespmem:s7], [sflag:$0x7] =	stream.linear.gather [hbm4b:s21+s2], $0x6000, $0x38;
	[tilespmem:$0x1E000] =	vst v63  }
0x7e: {  	_ =	swait.ge [sflag:s26], $0x6000  }
0x7f: {  	[sflag:s26] =	ssyncset.done $0x0  }
0x80: {  	[sflag:s26] =	ssyncadd.s32 $0xFFFFA000  }
0x81: {  	[hbm4b:s17+s2] =	stream.linear.scatter [tilespmem:s5], [sflag:$0xB], $0x6000, $0x38;
	[tilespmem:$0x1E000] =	vst v63  }
0x82: {  	_ =	swait.ge [sflag:s25], $0x6000  }
0x83: {  	[sflag:s25] =	ssyncset.done $0x0  }
0x84: {  	[sflag:s25] =	ssyncadd.s32 $0xFFFFA000  }
0x85: {  	[tilespmem:s5], [sflag:$0x8] =	stream.linear.gather [hbm4b:s13+s2], $0x6000, $0x38;
	[tilespmem:$0x1E000] =	vst v63  }
0x86: {  	_ =	swait.ge [sflag:s24], $0x6000  }
0x87: {  	[sflag:s24] =	ssyncset.done $0x0  }
0x88: {  	[sflag:s24] =	ssyncadd.s32 $0xFFFFA000  }
0x89: {  	[hbm4b:s11+s2] =	stream.linear.scatter [tilespmem:s18], [sflag:$0xC], $0x6000, $0x38;
	[tilespmem:$0x1E000] =	vst v63  }
0x8a: {  	_ =	swait.ge [sflag:s23], $0x6000  }
0x8b: {  	[sflag:s23] =	ssyncset.done $0x0  }
0x8c: {  	[sflag:s23] =	ssyncadd.s32 $0xFFFFA000  }
0x8d: {  	[hbm4b:s8+s2] =	stream.linear.scatter [tilespmem:s15], [sflag:$0xD], $0x6000, $0x38;
	[tilespmem:$0x1E000] =	vst v63  }
0x8e: {  	_ =	swait.ge [sflag:s22], $0x6000  }
0x8f: {  	[sflag:s22] =	ssyncset.done $0x0  }
0x90: {  	[sflag:s22] =	ssyncadd.s32 $0xFFFFA000  }
0x91: {  	[hbm4b:s6+s2] =	stream.linear.scatter [tilespmem:s2], [sflag:$0xE], $0x6000, $0x38;
	[tilespmem:$0x1E000] =	vst v63  }
0x92: {  	_ =	swait.ge [sflag:s19], $0x6000  }
0x93: {  	[sflag:s19] =	ssyncset.done $0x0  }
0x94: {  	[sflag:s19] =	ssyncadd.s32 $0xFFFFA000  }
0x95: {  	[hbm4b:s4+s2] =	stream.linear.scatter [tilespmem:s7], [sflag:$0xF], $0x6000, $0x38;
	[tilespmem:$0x1E000] =	vst v63  }
0x96: {  	_ =	swait.ge [sflag:s20], $0x6000  }
0x97: {  	[sflag:s20] =	ssyncset.done $0x0  }
0x98: {  	[sflag:s20] =	ssyncadd.s32 $0xFFFFA000  }
0x99: {  	[hbm4b:s3+s2] =	stream.linear.scatter [tilespmem:s5], [sflag:$0x10], $0x6000, $0x38;
	[tilespmem:$0x1E000] =	vst v63  }
0x9a: {  	_ =	swait.ge [sflag:s16], $0x6000  }
0x9b: {  	[sflag:s16] =	ssyncset.done $0x0  }
0x9c: {  	[sflag:s16] =	ssyncadd.s32 $0xFFFFA000  }
0x9d: {  	_ =	swait.ge [sflag:s14], $0x6000  }
0x9e: {  	[sflag:s14] =	ssyncset.done $0x0  }
0x9f: {  	[sflag:s14] =	ssyncadd.s32 $0xFFFFA000  }
0xa0: {  	_ =	swait.ge [sflag:s12], $0x6000  }
0xa1: {  	[sflag:s12] =	ssyncset.done $0x0  }
0xa2: {  	p1 =	sne.s32 s1, $0x1;
	[sflag:s12] =	ssyncadd.s32 $0xFFFFA000  }
.Ltmp2:
0xa3: {  	_ =	swait.ge [sflag:s10], $0x6000;
	(pc) =	sbr.rel @p1 .LBB2_2-.Ltmp2, $4  }
0xa4: {  	[sflag:s10] =	ssyncset.done $0x0  }
0xa5: {  	[sflag:s10] =	ssyncadd.s32 $0xFFFFA000  }
0xa6: {  	_ =	swait.ge [sflag:s9], $0x6000  }
0xa7: {  	s1 =	sadd.s32 $0xFFFFFFFF, s1;
	s0 =	rddreg [dreg:$0x3];
	[sflag:s9] =	ssyncset.done $0x0  }
.LBB2_3:
0xa8: {  	[sflag:s9] =	ssyncadd.s32 @p0 $0xFFFFA000  }
0xa9: {  	[tilespmem:s2], [sflag:$0x1] =	stream.linear.gather [hbm4b:s0+s2], $0x6000, $0x38;
	[tilespmem:$0x1E000] =	vst v63  }
0xaa: {  	s1 =	rddreg [dreg:$0x4]  }
0xab: {  	[tilespmem:s7], [sflag:$0x2] =	stream.linear.gather [hbm4b:s1+s2], $0x6000, $0x38;
	[tilespmem:$0x1E000] =	vst v63  }
0xac: {  	s0 =	rddreg [dreg:$0x5]  }
0xad: {  	[tilespmem:s5], [sflag:$0x3] =	stream.linear.gather [hbm4b:s0+s2], $0x6000, $0x38;
	[tilespmem:$0x1E000] =	vst v63  }
0xae: {  	s1 =	rddreg [dreg:$0x6]  }
0xaf: {  	[tilespmem:s18], [sflag:$0x4] =	stream.linear.gather [hbm4b:s1+s2], $0x6000, $0x38;
	[tilespmem:$0x1E000] =	vst v63  }
0xb0: {  	s0 =	rddreg [dreg:$0x7]  }
0xb1: {  	[tilespmem:s15], [sflag:$0x5] =	stream.linear.gather [hbm4b:s0+s2], $0x6000, $0x38;
	[tilespmem:$0x1E000] =	vst v63  }
0xb2: {  	_ =	swait.ge [sflag:s31], $0x6000  }
0xb3: {  	[sflag:s31] =	ssyncset.done $0x0  }
0xb4: {  	s1 =	rddreg [dreg:$0x8];
	[sflag:s31] =	ssyncadd.s32 $0xFFFFA000  }
0xb5: {  	[hbm4b:s1+s2] =	stream.linear.scatter [tilespmem:s2], [sflag:$0x9], $0x6000, $0x38;
	[tilespmem:$0x1E000] =	vst v63  }
0xb6: {  	_ =	swait.ge [sflag:s30], $0x6000  }
0xb7: {  	[sflag:s30] =	ssyncset.done $0x0  }
0xb8: {  	s1 =	rddreg [dreg:$0x9];
	[sflag:s30] =	ssyncadd.s32 $0xFFFFA000  }
0xb9: {  	[tilespmem:s2], [sflag:$0x6] =	stream.linear.gather [hbm4b:s1+s2], $0x6000, $0x38;
	[tilespmem:$0x1E000] =	vst v63  }
0xba: {  	_ =	swait.ge [sflag:s29], $0x6000  }
0xbb: {  	[sflag:s29] =	ssyncset.done $0x0  }
0xbc: {  	s30 =	rddreg [dreg:$0xa];
	[sflag:s29] =	ssyncadd.s32 $0xFFFFA000  }
0xbd: {  	[hbm4b:s30+s2] =	stream.linear.scatter [tilespmem:s7], [sflag:$0xA], $0x6000, $0x38;
	[tilespmem:$0x1E000] =	vst v63  }
0xbe: {  	_ =	swait.ge [sflag:s28], $0x6000  }
0xbf: {  	[sflag:s28] =	ssyncset.done $0x0  }
0xc0: {  	[sflag:s28] =	ssyncadd.s32 $0xFFFFA000  }
0xc1: {  	[tilespmem:s7], [sflag:$0x7] =	stream.linear.gather [hbm4b:s21+s2], $0x6000, $0x38;
	[tilespmem:$0x1E000] =	vst v63  }
0xc2: {  	_ =	swait.ge [sflag:s26], $0x6000  }
0xc3: {  	[sflag:s26] =	ssyncset.done $0x0  }
0xc4: {  	[sflag:s26] =	ssyncadd.s32 $0xFFFFA000  }
0xc5: {  	[hbm4b:s17+s2] =	stream.linear.scatter [tilespmem:s5], [sflag:$0xB], $0x6000, $0x38;
	[tilespmem:$0x1E000] =	vst v63  }
0xc6: {  	_ =	swait.ge [sflag:s25], $0x6000  }
0xc7: {  	[sflag:s25] =	ssyncset.done $0x0  }
0xc8: {  	[sflag:s25] =	ssyncadd.s32 $0xFFFFA000  }
0xc9: {  	[tilespmem:s5], [sflag:$0x8] =	stream.linear.gather [hbm4b:s13+s2], $0x6000, $0x38;
	[tilespmem:$0x1E000] =	vst v63  }
0xca: {  	_ =	swait.ge [sflag:s24], $0x6000  }
0xcb: {  	[sflag:s24] =	ssyncset.done $0x0  }
0xcc: {  	[sflag:s24] =	ssyncadd.s32 $0xFFFFA000  }
0xcd: {  	[hbm4b:s11+s2] =	stream.linear.scatter [tilespmem:s18], [sflag:$0xC], $0x6000, $0x38;
	[tilespmem:$0x1E000] =	vst v63  }
0xce: {  	_ =	swait.ge [sflag:s23], $0x6000  }
0xcf: {  	[sflag:s23] =	ssyncset.done $0x0  }
0xd0: {  	[sflag:s23] =	ssyncadd.s32 $0xFFFFA000  }
0xd1: {  	[hbm4b:s8+s2] =	stream.linear.scatter [tilespmem:s15], [sflag:$0xD], $0x6000, $0x38;
	[tilespmem:$0x1E000] =	vst v63  }
0xd2: {  	_ =	swait.ge [sflag:s22], $0x6000  }
0xd3: {  	[sflag:s22] =	ssyncset.done $0x0  }
0xd4: {  	[sflag:s22] =	ssyncadd.s32 $0xFFFFA000  }
0xd5: {  	[hbm4b:s6+s2] =	stream.linear.scatter [tilespmem:s2], [sflag:$0xE], $0x6000, $0x38;
	[tilespmem:$0x1E000] =	vst v63  }
0xd6: {  	_ =	swait.ge [sflag:s19], $0x6000  }
0xd7: {  	[sflag:s19] =	ssyncset.done $0x0  }
0xd8: {  	[sflag:s19] =	ssyncadd.s32 $0xFFFFA000  }
0xd9: {  	[hbm4b:s4+s2] =	stream.linear.scatter [tilespmem:s7], [sflag:$0xF], $0x6000, $0x38;
	[tilespmem:$0x1E000] =	vst v63  }
0xda: {  	_ =	swait.ge [sflag:s20], $0x6000  }
0xdb: {  	[sflag:s20] =	ssyncset.done $0x0  }
0xdc: {  	[sflag:s20] =	ssyncadd.s32 $0xFFFFA000  }
0xdd: {  	[hbm4b:s3+s2] =	stream.linear.scatter [tilespmem:s5], [sflag:$0x10], $0x6000, $0x38;
	[tilespmem:$0x1E000] =	vst v63  }
0xde: {  	_ =	swait.ge [sflag:s16], $0x6000  }
0xdf: {  	[sflag:s16] =	ssyncset.done $0x0  }
0xe0: {  	[sflag:s16] =	ssyncadd.s32 $0xFFFFA000  }
0xe1: {  	_ =	swait.ge [sflag:s14], $0x6000  }
0xe2: {  	[sflag:s14] =	ssyncset.done $0x0  }
0xe3: {  	[sflag:s14] =	ssyncadd.s32 $0xFFFFA000  }
0xe4: {  	_ =	swait.ge [sflag:s12], $0x6000  }
0xe5: {  	[sflag:s12] =	ssyncset.done $0x0  }
0xe6: {  	[sflag:s12] =	ssyncadd.s32 $0xFFFFA000  }
0xe7: {  	_ =	swait.ge [sflag:s10], $0x6000  }
0xe8: {  	[sflag:s10] =	ssyncset.done $0x0  }
0xe9: {  	[sflag:s10] =	ssyncadd.s32 $0xFFFFA000  }
0xea: {  	_ =	swait.ge [sflag:s9], $0x6000  }
0xeb: {  	[sflag:s9] =	ssyncset.done $0x0  }
0xec: {  	[sflag:s9] =	ssyncadd.s32 $0xFFFFA000  }
0xed: {  	_ =	sfence.sel $0x180000  }
0xee: {  	[bflag:$0x0] =	sbarrier.arrive $0xFFFF  }
0xef: {  	_ =	strace $0x90000047  }
0xf0: {  	s31 =	stileid.u32;
	[bflag:$0x2] =	sbarrier.arrive $0xFFFF  }
0xf1: {  	p0 =	sne.s32 s31, $0x0;
	s0 =	rddreg [dreg:$0x2]  }
0xf2: {  	s0 =	sadd.s32 @!p0 $0x100000, s0  }
0xf3: {  	[sflag:s0] =	ssyncadd.tile.s32 @!p0 $0x1;
	_ =	shalt  }
.Lfunc_end2:
_tile_overlayer_lowered:
.L_overlay_start_2:
0xf4: {  	(tag) =	ssettag $0x2  }
0xf5: {  	s0 =	rddreg [dreg:$0x0];
	s2 =	stileid.u32  }
0xf6: {  	s1 =	rddreg [dreg:$0x1];
	p0 =	sne.s32 s2, $0x0  }
0xf7: {  	s3 =	rddreg [dreg:$0x2];
	[bflag:$0x3] =	sbarrier.arrive $0xFFFF;
	s2 =	simm.s32 @!p0 $0x1C11  }
0xf8: {  	[timem:s3], [sflag:s2] =	dma.local @!p0 [hbm:s0], s1  }
0xf9: {  	s0 =	simm.s32 @!p0 $0x11  }
0xfa: {  	_ =	swait.ge @!p0 [sflag:s0], s1  }
0xfb: {  	s1 =	ssub.s32 @!p0 $0x0, s1;
	[sflag:s0] =	ssyncset.done @!p0 $0x0  }
0xfc: {  	[sflag:s0] =	ssyncadd.s32 @!p0 s1  }
0xfd: {  	[bflag:$0x3] =	sbarrier.arrive $0xFFFF  }
0xfe: {  	_ =	shalt  }

</sc_bundles>
